<compile_context>
chip_gen: v7x
topology: tpu7x:2x2x1
jax: 0.10.2.dev20260603
libtpu: 0.0.44.dev20260713+nightly
codegen_flags: <defaults>
</compile_context>

<pallas_src>
import jax
import jax.numpy as jnp
from jax import lax
from jax.experimental import pallas as pl
from jax.experimental.pallas import tpu as pltpu
from jax.experimental.pallas import tpu_sc as plsc

_LANES = 16
_CHUNK = 128
_NC = 2
_NS = 16
_NW = _NC * _NS


def _make_sc_kernel(B, E):
  b_per_w = B // _NW
  n_ch = b_per_w // _CHUNK
  n_col = E // _LANES
  mesh = plsc.VectorSubcoreMesh(core_axis_name="c", subcore_axis_name="s")

  def body(idx_u_hbm, idx_p_hbm, uemb_hbm, pemb_hbm,
           part_out,
           idxu_v, idxp_v, u_buf, p_buf, acc_v, sem):
    wid = lax.axis_index("s") * _NC + lax.axis_index("c")
    base = wid * b_per_w

    bsl = pl.ds(base, b_per_w)
    pltpu.sync_copy(idx_u_hbm.at[bsl], idxu_v)
    pltpu.sync_copy(idx_p_hbm.at[bsl], idxp_v)

    zero = jnp.zeros((_LANES,), jnp.float32)
    accs = (zero,) * n_col

    for ch in range(n_ch):
      gsl = pl.ds(ch * _CHUNK, _CHUNK)
      cu = pltpu.async_copy(uemb_hbm.at[idxu_v.at[gsl]], u_buf, sem)
      cp_ = pltpu.async_copy(pemb_hbm.at[idxp_v.at[gsl]], p_buf, sem)
      cu.wait()
      cp_.wait()

      def chunk_body(k, acc):
        out = []
        for c in range(n_col):
          csl = pl.ds(c * _LANES, _LANES)
          out.append(acc[c] + u_buf[k, csl] * p_buf[k, csl])
        return tuple(out)

      accs = lax.fori_loop(0, _CHUNK, chunk_body, accs)

    acc_total = accs[0]
    for c in range(1, n_col):
      acc_total = acc_total + accs[c]
    acc_v[...] = acc_total
    pltpu.sync_copy(acc_v, part_out.at[wid])

  out_type = jax.ShapeDtypeStruct((_NW, _LANES), jnp.float32)
  scratch = [
      pltpu.VMEM((b_per_w,), jnp.int32),
      pltpu.VMEM((b_per_w,), jnp.int32),
      pltpu.VMEM((_CHUNK, E), jnp.float32),
      pltpu.VMEM((_CHUNK, E), jnp.float32),
      pltpu.VMEM((_LANES,), jnp.float32),
      pltpu.SemaphoreType.DMA,
  ]
  return pl.kernel(body, out_type, mesh=mesh, scratch_types=scratch,
                   compiler_params=pltpu.CompilerParams(
                       use_tc_tiling_on_sc=False))


def _combine_body(part_ref, out_ref):
  total = jnp.sum(part_ref[...])
  out_ref[...] = jax.nn.sigmoid(jnp.zeros_like(out_ref) + total)


def kernel(inputs, user_emb, user_bias, place_emb, place_bias):
  B = inputs.shape[0]
  E = user_emb.shape[1]
  del user_bias, place_bias
  idx_u = inputs[:, 0].astype(jnp.int32)
  idx_p = inputs[:, 1].astype(jnp.int32)

  parts = _make_sc_kernel(B, E)(idx_u, idx_p, user_emb, place_emb)

  rows = B // 128
  out2d = pl.pallas_call(
      _combine_body,
      out_shape=jax.ShapeDtypeStruct((rows, 128), jnp.float32),
  )(parts)
  return out2d.reshape(B, 1)

# --- scband reference (transcript-rebuilt; emitter-appended) ---
"""Pipeline reference for scband-recommender-net-1073741824527 (READ-ONLY COPY).

The authoritative reference and input builder live on the scoring server;
editing this copy changes nothing except your own understanding.
"""

import jax, jax.numpy as jnp
import numpy as np

NUM_USERS = 1000000
NUM_PLACES = 1000000
EMBED = 64
BATCH = 16384

def setup_inputs(seed: int = 0) -> dict:
    key = jax.random.key(seed)
    k1, k2, k3, k4, k5 = jax.random.split(key, 5)
    inputs = jax.random.randint(k1, (BATCH, 2), 0, NUM_USERS, dtype=jnp.int64) if jax.config.jax_enable_x64 else jax.random.randint(k1, (BATCH, 2), 0, NUM_USERS, dtype=jnp.int32)
    # he_normal-ish init: stddev = sqrt(2 / fan_in) with fan_in = num_rows per keras Embedding he_normal
    user_emb = jax.random.normal(k2, (NUM_USERS, EMBED), dtype=jnp.float32) * np.sqrt(2.0 / NUM_USERS)
    place_emb = jax.random.normal(k3, (NUM_PLACES, EMBED), dtype=jnp.float32) * np.sqrt(2.0 / NUM_PLACES)
    user_bias = jnp.zeros((NUM_USERS, 1), dtype=jnp.float32)
    place_bias = jnp.zeros((NUM_PLACES, 1), dtype=jnp.float32)
    return {"inputs": inputs, "user_emb": user_emb, "user_bias": user_bias, "place_emb": place_emb, "place_bias": place_bias}

def reference(inputs, user_emb, user_bias, place_emb, place_bias):
    user_vector = jnp.take(user_emb, inputs[:, 0], axis=0)          # [B, E]
    user_bias_vec = jnp.take(user_bias, inputs[:, 0], axis=0)        # [B, 1]
    place_vector = jnp.take(place_emb, inputs[:, 1], axis=0)         # [B, E]
    place_bias_vec = jnp.take(place_bias, inputs[:, 1], axis=0)      # [B, 1]
    # tf.tensordot(user_vector, place_vector, 2) contracts over BOTH axes -> scalar
    dot_user_place = jnp.tensordot(user_vector, place_vector, axes=2)  # scalar
    x = dot_user_place + user_bias_vec + place_bias_vec               # [B, 1] via broadcast
    return jax.nn.sigmoid(x)

if __name__ == "__main__":
    import jax
    _d = setup_inputs()
    print(jax.jit(kernel)(*tuple(_d.values())))

</pallas_src>

<mosaic_0001>
#map = affine_map<(d0, d1) -> (0)>
#map1 = affine_map<(d0, d1) -> (0, 0)>
module attributes {stable_mosaic.version = 14 : i64} {
  func.func @body(%arg0: i32, %arg1: i32, %arg2: memref<16384xi32, #tpu.memory_space<hbm>>, %arg3: memref<16384xi32, #tpu.memory_space<hbm>>, %arg4: memref<1000000x64xf32, #tpu.memory_space<hbm>>, %arg5: memref<1000000x64xf32, #tpu.memory_space<hbm>>, %arg6: memref<32x16xf32, #tpu.memory_space<hbm>>, %arg7: memref<512xi32, #tpu.memory_space<vmem>>, %arg8: memref<512xi32, #tpu.memory_space<vmem>>, %arg9: memref<128x64xf32, #tpu.memory_space<vmem>>, %arg10: memref<128x64xf32, #tpu.memory_space<vmem>>, %arg11: memref<16xf32, #tpu.memory_space<vmem>>, %arg12: memref<!tpu.dma_semaphore, #tpu.memory_space<semaphore_mem>>) attributes {dimension_semantics = [#tpu.dimension_semantics<core_parallel>, #tpu.dimension_semantics<subcore_parallel>], iteration_bounds = array<i64: 2, 16>, scalar_prefetch = 0 : i64, scratch_operands = 6 : i64, tpu.core_type = #tpu.core_type<sc_vector_subcore>, window_params = [{transform_indices = #map}, {transform_indices = #map}, {transform_indices = #map1}, {transform_indices = #map1}, {transform_indices = #map1}]} {
    %mul3A = arith.constant 2 : i32
    %mul3A_0 = arith.muli %arg1, %mul3A : i32
    %add3A = arith.addi %mul3A_0, %arg0 : i32
    %mul3A_1 = arith.constant 512 : i32
    %mul3A_2 = arith.muli %add3A, %mul3A_1 : i32
    "tpu.region"() ({
      %run_scoped3A = tpu.sem_alloc : memref<!tpu.dma_semaphore, #tpu.memory_space<semaphore_mem>>
      %dma_start3A_111 = tpu.memref_slice %arg2[%mul3A_2] : memref<16384xi32, #tpu.memory_space<hbm>> -> memref<512xi32, #tpu.memory_space<hbm>>
      %dma_start3A_112 = tpu.memref_slice %arg2[%mul3A_2] : memref<16384xi32, #tpu.memory_space<hbm>> -> memref<512xi32, #tpu.memory_space<hbm>>
      tpu.enqueue_dma source(%dma_start3A_112 : memref<512xi32, #tpu.memory_space<hbm>>) target(%arg7 : memref<512xi32, #tpu.memory_space<vmem>>) target_semaphore(%run_scoped3A : memref<!tpu.dma_semaphore, #tpu.memory_space<semaphore_mem>>)
      %dma_wait3A_113 = tpu.memref_slice %arg2[%mul3A_2] : memref<16384xi32, #tpu.memory_space<hbm>> -> memref<512xi32, #tpu.memory_space<hbm>>
      %dma_wait3A_114 = tpu.memref_slice %arg2[%mul3A_2] : memref<16384xi32, #tpu.memory_space<hbm>> -> memref<512xi32, #tpu.memory_space<hbm>>
      tpu.wait_dma2 semaphore(%run_scoped3A : memref<!tpu.dma_semaphore, #tpu.memory_space<semaphore_mem>>) src(%dma_wait3A_114 : memref<512xi32, #tpu.memory_space<hbm>>) dst(%arg7 : memref<512xi32, #tpu.memory_space<vmem>>)
      tpu.yield
    }) : () -> ()
    "tpu.region"() ({
      %run_scoped3A = tpu.sem_alloc : memref<!tpu.dma_semaphore, #tpu.memory_space<semaphore_mem>>
      %dma_start3A_111 = tpu.memref_slice %arg3[%mul3A_2] : memref<16384xi32, #tpu.memory_space<hbm>> -> memref<512xi32, #tpu.memory_space<hbm>>
      %dma_start3A_112 = tpu.memref_slice %arg3[%mul3A_2] : memref<16384xi32, #tpu.memory_space<hbm>> -> memref<512xi32, #tpu.memory_space<hbm>>
      tpu.enqueue_dma source(%dma_start3A_112 : memref<512xi32, #tpu.memory_space<hbm>>) target(%arg8 : memref<512xi32, #tpu.memory_space<vmem>>) target_semaphore(%run_scoped3A : memref<!tpu.dma_semaphore, #tpu.memory_space<semaphore_mem>>)
      %dma_wait3A_113 = tpu.memref_slice %arg3[%mul3A_2] : memref<16384xi32, #tpu.memory_space<hbm>> -> memref<512xi32, #tpu.memory_space<hbm>>
      %dma_wait3A_114 = tpu.memref_slice %arg3[%mul3A_2] : memref<16384xi32, #tpu.memory_space<hbm>> -> memref<512xi32, #tpu.memory_space<hbm>>
      tpu.wait_dma2 semaphore(%run_scoped3A : memref<!tpu.dma_semaphore, #tpu.memory_space<semaphore_mem>>) src(%dma_wait3A_114 : memref<512xi32, #tpu.memory_space<hbm>>) dst(%arg8 : memref<512xi32, #tpu.memory_space<vmem>>)
      tpu.yield
    }) : () -> ()
    %broadcast_in_dim3A = arith.constant 0.000000e+00 : f32
    %broadcast_in_dim3A_3 = vector.broadcast %broadcast_in_dim3A : f32 to vector<16xf32>
    %dma_start3A = arith.constant 0 : i32
    %dma_start3A_4 = tpu.memref_slice %arg7[%dma_start3A] : memref<512xi32, #tpu.memory_space<vmem>> -> memref<128xi32, #tpu.memory_space<vmem>>
    %dma_start3A_5 = arith.constant 0 : i32
    %dma_start3A_6 = arith.constant 0 : i32
    %dma_start3A_7 = tpu.memref_slice %arg4[%dma_start3A_5, %dma_start3A_6] : memref<1000000x64xf32, #tpu.memory_space<hbm>> -> memref<1000000x64xf32, #tpu.memory_space<hbm>>
    tpu.enqueue_indirect_dma source(%dma_start3A_7 : memref<1000000x64xf32, #tpu.memory_space<hbm>>) target(%arg9 : memref<128x64xf32, #tpu.memory_space<vmem>>) offsets(%dma_start3A_4 : memref<128xi32, #tpu.memory_space<vmem>>) semaphore(%arg12 : memref<!tpu.dma_semaphore, #tpu.memory_space<semaphore_mem>>)
    %dma_start3A_8 = arith.constant 0 : i32
    %dma_start3A_9 = tpu.memref_slice %arg8[%dma_start3A_8] : memref<512xi32, #tpu.memory_space<vmem>> -> memref<128xi32, #tpu.memory_space<vmem>>
    %dma_start3A_10 = arith.constant 0 : i32
    %dma_start3A_11 = arith.constant 0 : i32
    %dma_start3A_12 = tpu.memref_slice %arg5[%dma_start3A_10, %dma_start3A_11] : memref<1000000x64xf32, #tpu.memory_space<hbm>> -> memref<1000000x64xf32, #tpu.memory_space<hbm>>
    tpu.enqueue_indirect_dma source(%dma_start3A_12 : memref<1000000x64xf32, #tpu.memory_space<hbm>>) target(%arg10 : memref<128x64xf32, #tpu.memory_space<vmem>>) offsets(%dma_start3A_9 : memref<128xi32, #tpu.memory_space<vmem>>) semaphore(%arg12 : memref<!tpu.dma_semaphore, #tpu.memory_space<semaphore_mem>>)
    %dma_wait3A = arith.constant 0 : i32
    %dma_wait3A_13 = tpu.memref_slice %arg7[%dma_wait3A] : memref<512xi32, #tpu.memory_space<vmem>> -> memref<128xi32, #tpu.memory_space<vmem>>
    %dma_wait3A_14 = arith.constant 0 : i32
    %dma_wait3A_15 = arith.constant 0 : i32
    %dma_wait3A_16 = tpu.memref_slice %arg4[%dma_wait3A_14, %dma_wait3A_15] : memref<1000000x64xf32, #tpu.memory_space<hbm>> -> memref<1000000x64xf32, #tpu.memory_space<hbm>>
    tpu.wait_indirect_dma semaphore(%arg12 : memref<!tpu.dma_semaphore, #tpu.memory_space<semaphore_mem>>) src(%dma_wait3A_16 : memref<1000000x64xf32, #tpu.memory_space<hbm>>) dst(%arg9 : memref<128x64xf32, #tpu.memory_space<vmem>>)
    %dma_wait3A_17 = arith.constant 0 : i32
    %dma_wait3A_18 = tpu.memref_slice %arg8[%dma_wait3A_17] : memref<512xi32, #tpu.memory_space<vmem>> -> memref<128xi32, #tpu.memory_space<vmem>>
    %dma_wait3A_19 = arith.constant 0 : i32
    %dma_wait3A_20 = arith.constant 0 : i32
    %dma_wait3A_21 = tpu.memref_slice %arg5[%dma_wait3A_19, %dma_wait3A_20] : memref<1000000x64xf32, #tpu.memory_space<hbm>> -> memref<1000000x64xf32, #tpu.memory_space<hbm>>
    tpu.wait_indirect_dma semaphore(%arg12 : memref<!tpu.dma_semaphore, #tpu.memory_space<semaphore_mem>>) src(%dma_wait3A_21 : memref<1000000x64xf32, #tpu.memory_space<hbm>>) dst(%arg10 : memref<128x64xf32, #tpu.memory_space<vmem>>)
    %scan3A = arith.constant 0 : i32
    %scan3A_22 = arith.constant 128 : i32
    %scan3A_23 = arith.addi %scan3A, %scan3A_22 : i32
    %scan3A_24 = arith.constant 1 : i32
    %scan3A_25:4 = scf.for %scan3A_111 = %scan3A to %scan3A_23 step %scan3A_24 iter_args(%scan3A_112 = %broadcast_in_dim3A_3, %scan3A_113 = %broadcast_in_dim3A_3, %scan3A_114 = %broadcast_in_dim3A_3, %scan3A_115 = %broadcast_in_dim3A_3) -> (vector<16xf32>, vector<16xf32>, vector<16xf32>, vector<16xf32>)  : i32 {
      %get3A = arith.index_cast %scan3A_111 : i32 to index
      %get3A_116 = arith.constant 0 : index
      %get3A_117 = tpu.vector_load %arg9[%get3A, %get3A_116] {strides = array<i32>} : memref<128x64xf32, #tpu.memory_space<vmem>>, vector<1x16xf32>,
      %get3A_118 = vector.shape_cast %get3A_117 : vector<1x16xf32> to vector<16xf32>
      %get3A_119 = arith.index_cast %scan3A_111 : i32 to index
      %get3A_120 = arith.constant 0 : index
      %get3A_121 = tpu.vector_load %arg10[%get3A_119, %get3A_120] {strides = array<i32>} : memref<128x64xf32, #tpu.memory_space<vmem>>, vector<1x16xf32>,
      %get3A_122 = vector.shape_cast %get3A_121 : vector<1x16xf32> to vector<16xf32>
      %mul3A_123 = arith.mulf %get3A_118, %get3A_122 : vector<16xf32>
      %add3A_124 = arith.addf %scan3A_112, %mul3A_123 : vector<16xf32>
      %get3A_125 = arith.index_cast %scan3A_111 : i32 to index
      %get3A_126 = arith.constant 16 : index
      %get3A_127 = tpu.vector_load %arg9[%get3A_125, %get3A_126] {strides = array<i32>} : memref<128x64xf32, #tpu.memory_space<vmem>>, vector<1x16xf32>,
      %get3A_128 = vector.shape_cast %get3A_127 : vector<1x16xf32> to vector<16xf32>
      %get3A_129 = arith.index_cast %scan3A_111 : i32 to index
      %get3A_130 = arith.constant 16 : index
      %get3A_131 = tpu.vector_load %arg10[%get3A_129, %get3A_130] {strides = array<i32>} : memref<128x64xf32, #tpu.memory_space<vmem>>, vector<1x16xf32>,
      %get3A_132 = vector.shape_cast %get3A_131 : vector<1x16xf32> to vector<16xf32>
      %mul3A_133 = arith.mulf %get3A_128, %get3A_132 : vector<16xf32>
      %add3A_134 = arith.addf %scan3A_113, %mul3A_133 : vector<16xf32>
      %get3A_135 = arith.index_cast %scan3A_111 : i32 to index
      %get3A_136 = arith.constant 32 : index
      %get3A_137 = tpu.vector_load %arg9[%get3A_135, %get3A_136] {strides = array<i32>} : memref<128x64xf32, #tpu.memory_space<vmem>>, vector<1x16xf32>,
      %get3A_138 = vector.shape_cast %get3A_137 : vector<1x16xf32> to vector<16xf32>
      %get3A_139 = arith.index_cast %scan3A_111 : i32 to index
      %get3A_140 = arith.constant 32 : index
      %get3A_141 = tpu.vector_load %arg10[%get3A_139, %get3A_140] {strides = array<i32>} : memref<128x64xf32, #tpu.memory_space<vmem>>, vector<1x16xf32>,
      %get3A_142 = vector.shape_cast %get3A_141 : vector<1x16xf32> to vector<16xf32>
      %mul3A_143 = arith.mulf %get3A_138, %get3A_142 : vector<16xf32>
      %add3A_144 = arith.addf %scan3A_114, %mul3A_143 : vector<16xf32>
      %get3A_145 = arith.index_cast %scan3A_111 : i32 to index
      %get3A_146 = arith.constant 48 : index
      %get3A_147 = tpu.vector_load %arg9[%get3A_145, %get3A_146] {strides = array<i32>} : memref<128x64xf32, #tpu.memory_space<vmem>>, vector<1x16xf32>,
      %get3A_148 = vector.shape_cast %get3A_147 : vector<1x16xf32> to vector<16xf32>
      %get3A_149 = arith.index_cast %scan3A_111 : i32 to index
      %get3A_150 = arith.constant 48 : index
      %get3A_151 = tpu.vector_load %arg10[%get3A_149, %get3A_150] {strides = array<i32>} : memref<128x64xf32, #tpu.memory_space<vmem>>, vector<1x16xf32>,
      %get3A_152 = vector.shape_cast %get3A_151 : vector<1x16xf32> to vector<16xf32>
      %mul3A_153 = arith.mulf %get3A_148, %get3A_152 : vector<16xf32>
      %add3A_154 = arith.addf %scan3A_115, %mul3A_153 : vector<16xf32>
      scf.yield %add3A_124, %add3A_134, %add3A_144, %add3A_154 : vector<16xf32>, vector<16xf32>, vector<16xf32>, vector<16xf32>
    }
    %scan3A_26 = arith.constant 128 : i32
    %dma_start3A_27 = arith.constant 128 : i32
    %dma_start3A_28 = tpu.memref_slice %arg7[%dma_start3A_27] : memref<512xi32, #tpu.memory_space<vmem>> -> memref<128xi32, #tpu.memory_space<vmem>>
    %dma_start3A_29 = arith.constant 0 : i32
    %dma_start3A_30 = arith.constant 0 : i32
    %dma_start3A_31 = tpu.memref_slice %arg4[%dma_start3A_29, %dma_start3A_30] : memref<1000000x64xf32, #tpu.memory_space<hbm>> -> memref<1000000x64xf32, #tpu.memory_space<hbm>>
    tpu.enqueue_indirect_dma source(%dma_start3A_31 : memref<1000000x64xf32, #tpu.memory_space<hbm>>) target(%arg9 : memref<128x64xf32, #tpu.memory_space<vmem>>) offsets(%dma_start3A_28 : memref<128xi32, #tpu.memory_space<vmem>>) semaphore(%arg12 : memref<!tpu.dma_semaphore, #tpu.memory_space<semaphore_mem>>)
    %dma_start3A_32 = arith.constant 128 : i32
    %dma_start3A_33 = tpu.memref_slice %arg8[%dma_start3A_32] : memref<512xi32, #tpu.memory_space<vmem>> -> memref<128xi32, #tpu.memory_space<vmem>>
    %dma_start3A_34 = arith.constant 0 : i32
    %dma_start3A_35 = arith.constant 0 : i32
    %dma_start3A_36 = tpu.memref_slice %arg5[%dma_start3A_34, %dma_start3A_35] : memref<1000000x64xf32, #tpu.memory_space<hbm>> -> memref<1000000x64xf32, #tpu.memory_space<hbm>>
    tpu.enqueue_indirect_dma source(%dma_start3A_36 : memref<1000000x64xf32, #tpu.memory_space<hbm>>) target(%arg10 : memref<128x64xf32, #tpu.memory_space<vmem>>) offsets(%dma_start3A_33 : memref<128xi32, #tpu.memory_space<vmem>>) semaphore(%arg12 : memref<!tpu.dma_semaphore, #tpu.memory_space<semaphore_mem>>)
    %dma_wait3A_37 = arith.constant 128 : i32
    %dma_wait3A_38 = tpu.memref_slice %arg7[%dma_wait3A_37] : memref<512xi32, #tpu.memory_space<vmem>> -> memref<128xi32, #tpu.memory_space<vmem>>
    %dma_wait3A_39 = arith.constant 0 : i32
    %dma_wait3A_40 = arith.constant 0 : i32
    %dma_wait3A_41 = tpu.memref_slice %arg4[%dma_wait3A_39, %dma_wait3A_40] : memref<1000000x64xf32, #tpu.memory_space<hbm>> -> memref<1000000x64xf32, #tpu.memory_space<hbm>>
    tpu.wait_indirect_dma semaphore(%arg12 : memref<!tpu.dma_semaphore, #tpu.memory_space<semaphore_mem>>) src(%dma_wait3A_41 : memref<1000000x64xf32, #tpu.memory_space<hbm>>) dst(%arg9 : memref<128x64xf32, #tpu.memory_space<vmem>>)
    %dma_wait3A_42 = arith.constant 128 : i32
    %dma_wait3A_43 = tpu.memref_slice %arg8[%dma_wait3A_42] : memref<512xi32, #tpu.memory_space<vmem>> -> memref<128xi32, #tpu.memory_space<vmem>>
    %dma_wait3A_44 = arith.constant 0 : i32
    %dma_wait3A_45 = arith.constant 0 : i32
    %dma_wait3A_46 = tpu.memref_slice %arg5[%dma_wait3A_44, %dma_wait3A_45] : memref<1000000x64xf32, #tpu.memory_space<hbm>> -> memref<1000000x64xf32, #tpu.memory_space<hbm>>
    tpu.wait_indirect_dma semaphore(%arg12 : memref<!tpu.dma_semaphore, #tpu.memory_space<semaphore_mem>>) src(%dma_wait3A_46 : memref<1000000x64xf32, #tpu.memory_space<hbm>>) dst(%arg10 : memref<128x64xf32, #tpu.memory_space<vmem>>)
    %scan3A_47 = arith.constant 0 : i32
    %scan3A_48 = arith.constant 128 : i32
    %scan3A_49 = arith.addi %scan3A_47, %scan3A_48 : i32
    %scan3A_50 = arith.constant 1 : i32
    %scan3A_51:4 = scf.for %scan3A_111 = %scan3A_47 to %scan3A_49 step %scan3A_50 iter_args(%scan3A_112 = %scan3A_25#0, %scan3A_113 = %scan3A_25#1, %scan3A_114 = %scan3A_25#2, %scan3A_115 = %scan3A_25#3) -> (vector<16xf32>, vector<16xf32>, vector<16xf32>, vector<16xf32>)  : i32 {
      %get3A = arith.index_cast %scan3A_111 : i32 to index
      %get3A_116 = arith.constant 0 : index
      %get3A_117 = tpu.vector_load %arg9[%get3A, %get3A_116] {strides = array<i32>} : memref<128x64xf32, #tpu.memory_space<vmem>>, vector<1x16xf32>,
      %get3A_118 = vector.shape_cast %get3A_117 : vector<1x16xf32> to vector<16xf32>
      %get3A_119 = arith.index_cast %scan3A_111 : i32 to index
      %get3A_120 = arith.constant 0 : index
      %get3A_121 = tpu.vector_load %arg10[%get3A_119, %get3A_120] {strides = array<i32>} : memref<128x64xf32, #tpu.memory_space<vmem>>, vector<1x16xf32>,
      %get3A_122 = vector.shape_cast %get3A_121 : vector<1x16xf32> to vector<16xf32>
      %mul3A_123 = arith.mulf %get3A_118, %get3A_122 : vector<16xf32>
      %add3A_124 = arith.addf %scan3A_112, %mul3A_123 : vector<16xf32>
      %get3A_125 = arith.index_cast %scan3A_111 : i32 to index
      %get3A_126 = arith.constant 16 : index
      %get3A_127 = tpu.vector_load %arg9[%get3A_125, %get3A_126] {strides = array<i32>} : memref<128x64xf32, #tpu.memory_space<vmem>>, vector<1x16xf32>,
      %get3A_128 = vector.shape_cast %get3A_127 : vector<1x16xf32> to vector<16xf32>
      %get3A_129 = arith.index_cast %scan3A_111 : i32 to index
      %get3A_130 = arith.constant 16 : index
      %get3A_131 = tpu.vector_load %arg10[%get3A_129, %get3A_130] {strides = array<i32>} : memref<128x64xf32, #tpu.memory_space<vmem>>, vector<1x16xf32>,
      %get3A_132 = vector.shape_cast %get3A_131 : vector<1x16xf32> to vector<16xf32>
      %mul3A_133 = arith.mulf %get3A_128, %get3A_132 : vector<16xf32>
      %add3A_134 = arith.addf %scan3A_113, %mul3A_133 : vector<16xf32>
      %get3A_135 = arith.index_cast %scan3A_111 : i32 to index
      %get3A_136 = arith.constant 32 : index
      %get3A_137 = tpu.vector_load %arg9[%get3A_135, %get3A_136] {strides = array<i32>} : memref<128x64xf32, #tpu.memory_space<vmem>>, vector<1x16xf32>,
      %get3A_138 = vector.shape_cast %get3A_137 : vector<1x16xf32> to vector<16xf32>
      %get3A_139 = arith.index_cast %scan3A_111 : i32 to index
      %get3A_140 = arith.constant 32 : index
      %get3A_141 = tpu.vector_load %arg10[%get3A_139, %get3A_140] {strides = array<i32>} : memref<128x64xf32, #tpu.memory_space<vmem>>, vector<1x16xf32>,
      %get3A_142 = vector.shape_cast %get3A_141 : vector<1x16xf32> to vector<16xf32>
      %mul3A_143 = arith.mulf %get3A_138, %get3A_142 : vector<16xf32>
      %add3A_144 = arith.addf %scan3A_114, %mul3A_143 : vector<16xf32>
      %get3A_145 = arith.index_cast %scan3A_111 : i32 to index
      %get3A_146 = arith.constant 48 : index
      %get3A_147 = tpu.vector_load %arg9[%get3A_145, %get3A_146] {strides = array<i32>} : memref<128x64xf32, #tpu.memory_space<vmem>>, vector<1x16xf32>,
      %get3A_148 = vector.shape_cast %get3A_147 : vector<1x16xf32> to vector<16xf32>
      %get3A_149 = arith.index_cast %scan3A_111 : i32 to index
      %get3A_150 = arith.constant 48 : index
      %get3A_151 = tpu.vector_load %arg10[%get3A_149, %get3A_150] {strides = array<i32>} : memref<128x64xf32, #tpu.memory_space<vmem>>, vector<1x16xf32>,
      %get3A_152 = vector.shape_cast %get3A_151 : vector<1x16xf32> to vector<16xf32>
      %mul3A_153 = arith.mulf %get3A_148, %get3A_152 : vector<16xf32>
      %add3A_154 = arith.addf %scan3A_115, %mul3A_153 : vector<16xf32>
      scf.yield %add3A_124, %add3A_134, %add3A_144, %add3A_154 : vector<16xf32>, vector<16xf32>, vector<16xf32>, vector<16xf32>
    }
    %scan3A_52 = arith.constant 128 : i32
    %dma_start3A_53 = arith.constant 256 : i32
    %dma_start3A_54 = tpu.memref_slice %arg7[%dma_start3A_53] : memref<512xi32, #tpu.memory_space<vmem>> -> memref<128xi32, #tpu.memory_space<vmem>>
    %dma_start3A_55 = arith.constant 0 : i32
    %dma_start3A_56 = arith.constant 0 : i32
    %dma_start3A_57 = tpu.memref_slice %arg4[%dma_start3A_55, %dma_start3A_56] : memref<1000000x64xf32, #tpu.memory_space<hbm>> -> memref<1000000x64xf32, #tpu.memory_space<hbm>>
    tpu.enqueue_indirect_dma source(%dma_start3A_57 : memref<1000000x64xf32, #tpu.memory_space<hbm>>) target(%arg9 : memref<128x64xf32, #tpu.memory_space<vmem>>) offsets(%dma_start3A_54 : memref<128xi32, #tpu.memory_space<vmem>>) semaphore(%arg12 : memref<!tpu.dma_semaphore, #tpu.memory_space<semaphore_mem>>)
    %dma_start3A_58 = arith.constant 256 : i32
    %dma_start3A_59 = tpu.memref_slice %arg8[%dma_start3A_58] : memref<512xi32, #tpu.memory_space<vmem>> -> memref<128xi32, #tpu.memory_space<vmem>>
    %dma_start3A_60 = arith.constant 0 : i32
    %dma_start3A_61 = arith.constant 0 : i32
    %dma_start3A_62 = tpu.memref_slice %arg5[%dma_start3A_60, %dma_start3A_61] : memref<1000000x64xf32, #tpu.memory_space<hbm>> -> memref<1000000x64xf32, #tpu.memory_space<hbm>>
    tpu.enqueue_indirect_dma source(%dma_start3A_62 : memref<1000000x64xf32, #tpu.memory_space<hbm>>) target(%arg10 : memref<128x64xf32, #tpu.memory_space<vmem>>) offsets(%dma_start3A_59 : memref<128xi32, #tpu.memory_space<vmem>>) semaphore(%arg12 : memref<!tpu.dma_semaphore, #tpu.memory_space<semaphore_mem>>)
    %dma_wait3A_63 = arith.constant 256 : i32
    %dma_wait3A_64 = tpu.memref_slice %arg7[%dma_wait3A_63] : memref<512xi32, #tpu.memory_space<vmem>> -> memref<128xi32, #tpu.memory_space<vmem>>
    %dma_wait3A_65 = arith.constant 0 : i32
    %dma_wait3A_66 = arith.constant 0 : i32
    %dma_wait3A_67 = tpu.memref_slice %arg4[%dma_wait3A_65, %dma_wait3A_66] : memref<1000000x64xf32, #tpu.memory_space<hbm>> -> memref<1000000x64xf32, #tpu.memory_space<hbm>>
    tpu.wait_indirect_dma semaphore(%arg12 : memref<!tpu.dma_semaphore, #tpu.memory_space<semaphore_mem>>) src(%dma_wait3A_67 : memref<1000000x64xf32, #tpu.memory_space<hbm>>) dst(%arg9 : memref<128x64xf32, #tpu.memory_space<vmem>>)
    %dma_wait3A_68 = arith.constant 256 : i32
    %dma_wait3A_69 = tpu.memref_slice %arg8[%dma_wait3A_68] : memref<512xi32, #tpu.memory_space<vmem>> -> memref<128xi32, #tpu.memory_space<vmem>>
    %dma_wait3A_70 = arith.constant 0 : i32
    %dma_wait3A_71 = arith.constant 0 : i32
    %dma_wait3A_72 = tpu.memref_slice %arg5[%dma_wait3A_70, %dma_wait3A_71] : memref<1000000x64xf32, #tpu.memory_space<hbm>> -> memref<1000000x64xf32, #tpu.memory_space<hbm>>
    tpu.wait_indirect_dma semaphore(%arg12 : memref<!tpu.dma_semaphore, #tpu.memory_space<semaphore_mem>>) src(%dma_wait3A_72 : memref<1000000x64xf32, #tpu.memory_space<hbm>>) dst(%arg10 : memref<128x64xf32, #tpu.memory_space<vmem>>)
    %scan3A_73 = arith.constant 0 : i32
    %scan3A_74 = arith.constant 128 : i32
    %scan3A_75 = arith.addi %scan3A_73, %scan3A_74 : i32
    %scan3A_76 = arith.constant 1 : i32
    %scan3A_77:4 = scf.for %scan3A_111 = %scan3A_73 to %scan3A_75 step %scan3A_76 iter_args(%scan3A_112 = %scan3A_51#0, %scan3A_113 = %scan3A_51#1, %scan3A_114 = %scan3A_51#2, %scan3A_115 = %scan3A_51#3) -> (vector<16xf32>, vector<16xf32>, vector<16xf32>, vector<16xf32>)  : i32 {
      %get3A = arith.index_cast %scan3A_111 : i32 to index
      %get3A_116 = arith.constant 0 : index
      %get3A_117 = tpu.vector_load %arg9[%get3A, %get3A_116] {strides = array<i32>} : memref<128x64xf32, #tpu.memory_space<vmem>>, vector<1x16xf32>,
      %get3A_118 = vector.shape_cast %get3A_117 : vector<1x16xf32> to vector<16xf32>
      %get3A_119 = arith.index_cast %scan3A_111 : i32 to index
      %get3A_120 = arith.constant 0 : index
      %get3A_121 = tpu.vector_load %arg10[%get3A_119, %get3A_120] {strides = array<i32>} : memref<128x64xf32, #tpu.memory_space<vmem>>, vector<1x16xf32>,
      %get3A_122 = vector.shape_cast %get3A_121 : vector<1x16xf32> to vector<16xf32>
      %mul3A_123 = arith.mulf %get3A_118, %get3A_122 : vector<16xf32>
      %add3A_124 = arith.addf %scan3A_112, %mul3A_123 : vector<16xf32>
      %get3A_125 = arith.index_cast %scan3A_111 : i32 to index
      %get3A_126 = arith.constant 16 : index
      %get3A_127 = tpu.vector_load %arg9[%get3A_125, %get3A_126] {strides = array<i32>} : memref<128x64xf32, #tpu.memory_space<vmem>>, vector<1x16xf32>,
      %get3A_128 = vector.shape_cast %get3A_127 : vector<1x16xf32> to vector<16xf32>
      %get3A_129 = arith.index_cast %scan3A_111 : i32 to index
      %get3A_130 = arith.constant 16 : index
      %get3A_131 = tpu.vector_load %arg10[%get3A_129, %get3A_130] {strides = array<i32>} : memref<128x64xf32, #tpu.memory_space<vmem>>, vector<1x16xf32>,
      %get3A_132 = vector.shape_cast %get3A_131 : vector<1x16xf32> to vector<16xf32>
      %mul3A_133 = arith.mulf %get3A_128, %get3A_132 : vector<16xf32>
      %add3A_134 = arith.addf %scan3A_113, %mul3A_133 : vector<16xf32>
      %get3A_135 = arith.index_cast %scan3A_111 : i32 to index
      %get3A_136 = arith.constant 32 : index
      %get3A_137 = tpu.vector_load %arg9[%get3A_135, %get3A_136] {strides = array<i32>} : memref<128x64xf32, #tpu.memory_space<vmem>>, vector<1x16xf32>,
      %get3A_138 = vector.shape_cast %get3A_137 : vector<1x16xf32> to vector<16xf32>
      %get3A_139 = arith.index_cast %scan3A_111 : i32 to index
      %get3A_140 = arith.constant 32 : index
      %get3A_141 = tpu.vector_load %arg10[%get3A_139, %get3A_140] {strides = array<i32>} : memref<128x64xf32, #tpu.memory_space<vmem>>, vector<1x16xf32>,
      %get3A_142 = vector.shape_cast %get3A_141 : vector<1x16xf32> to vector<16xf32>
      %mul3A_143 = arith.mulf %get3A_138, %get3A_142 : vector<16xf32>
      %add3A_144 = arith.addf %scan3A_114, %mul3A_143 : vector<16xf32>
      %get3A_145 = arith.index_cast %scan3A_111 : i32 to index
      %get3A_146 = arith.constant 48 : index
      %get3A_147 = tpu.vector_load %arg9[%get3A_145, %get3A_146] {strides = array<i32>} : memref<128x64xf32, #tpu.memory_space<vmem>>, vector<1x16xf32>,
      %get3A_148 = vector.shape_cast %get3A_147 : vector<1x16xf32> to vector<16xf32>
      %get3A_149 = arith.index_cast %scan3A_111 : i32 to index
      %get3A_150 = arith.constant 48 : index
      %get3A_151 = tpu.vector_load %arg10[%get3A_149, %get3A_150] {strides = array<i32>} : memref<128x64xf32, #tpu.memory_space<vmem>>, vector<1x16xf32>,
      %get3A_152 = vector.shape_cast %get3A_151 : vector<1x16xf32> to vector<16xf32>
      %mul3A_153 = arith.mulf %get3A_148, %get3A_152 : vector<16xf32>
      %add3A_154 = arith.addf %scan3A_115, %mul3A_153 : vector<16xf32>
      scf.yield %add3A_124, %add3A_134, %add3A_144, %add3A_154 : vector<16xf32>, vector<16xf32>, vector<16xf32>, vector<16xf32>
    }
    %scan3A_78 = arith.constant 128 : i32
    %dma_start3A_79 = arith.constant 384 : i32
    %dma_start3A_80 = tpu.memref_slice %arg7[%dma_start3A_79] : memref<512xi32, #tpu.memory_space<vmem>> -> memref<128xi32, #tpu.memory_space<vmem>>
    %dma_start3A_81 = arith.constant 0 : i32
    %dma_start3A_82 = arith.constant 0 : i32
    %dma_start3A_83 = tpu.memref_slice %arg4[%dma_start3A_81, %dma_start3A_82] : memref<1000000x64xf32, #tpu.memory_space<hbm>> -> memref<1000000x64xf32, #tpu.memory_space<hbm>>
    tpu.enqueue_indirect_dma source(%dma_start3A_83 : memref<1000000x64xf32, #tpu.memory_space<hbm>>) target(%arg9 : memref<128x64xf32, #tpu.memory_space<vmem>>) offsets(%dma_start3A_80 : memref<128xi32, #tpu.memory_space<vmem>>) semaphore(%arg12 : memref<!tpu.dma_semaphore, #tpu.memory_space<semaphore_mem>>)
    %dma_start3A_84 = arith.constant 384 : i32
    %dma_start3A_85 = tpu.memref_slice %arg8[%dma_start3A_84] : memref<512xi32, #tpu.memory_space<vmem>> -> memref<128xi32, #tpu.memory_space<vmem>>
    %dma_start3A_86 = arith.constant 0 : i32
    %dma_start3A_87 = arith.constant 0 : i32
    %dma_start3A_88 = tpu.memref_slice %arg5[%dma_start3A_86, %dma_start3A_87] : memref<1000000x64xf32, #tpu.memory_space<hbm>> -> memref<1000000x64xf32, #tpu.memory_space<hbm>>
    tpu.enqueue_indirect_dma source(%dma_start3A_88 : memref<1000000x64xf32, #tpu.memory_space<hbm>>) target(%arg10 : memref<128x64xf32, #tpu.memory_space<vmem>>) offsets(%dma_start3A_85 : memref<128xi32, #tpu.memory_space<vmem>>) semaphore(%arg12 : memref<!tpu.dma_semaphore, #tpu.memory_space<semaphore_mem>>)
    %dma_wait3A_89 = arith.constant 384 : i32
    %dma_wait3A_90 = tpu.memref_slice %arg7[%dma_wait3A_89] : memref<512xi32, #tpu.memory_space<vmem>> -> memref<128xi32, #tpu.memory_space<vmem>>
    %dma_wait3A_91 = arith.constant 0 : i32
    %dma_wait3A_92 = arith.constant 0 : i32
    %dma_wait3A_93 = tpu.memref_slice %arg4[%dma_wait3A_91, %dma_wait3A_92] : memref<1000000x64xf32, #tpu.memory_space<hbm>> -> memref<1000000x64xf32, #tpu.memory_space<hbm>>
    tpu.wait_indirect_dma semaphore(%arg12 : memref<!tpu.dma_semaphore, #tpu.memory_space<semaphore_mem>>) src(%dma_wait3A_93 : memref<1000000x64xf32, #tpu.memory_space<hbm>>) dst(%arg9 : memref<128x64xf32, #tpu.memory_space<vmem>>)
    %dma_wait3A_94 = arith.constant 384 : i32
    %dma_wait3A_95 = tpu.memref_slice %arg8[%dma_wait3A_94] : memref<512xi32, #tpu.memory_space<vmem>> -> memref<128xi32, #tpu.memory_space<vmem>>
    %dma_wait3A_96 = arith.constant 0 : i32
    %dma_wait3A_97 = arith.constant 0 : i32
    %dma_wait3A_98 = tpu.memref_slice %arg5[%dma_wait3A_96, %dma_wait3A_97] : memref<1000000x64xf32, #tpu.memory_space<hbm>> -> memref<1000000x64xf32, #tpu.memory_space<hbm>>
    tpu.wait_indirect_dma semaphore(%arg12 : memref<!tpu.dma_semaphore, #tpu.memory_space<semaphore_mem>>) src(%dma_wait3A_98 : memref<1000000x64xf32, #tpu.memory_space<hbm>>) dst(%arg10 : memref<128x64xf32, #tpu.memory_space<vmem>>)
    %scan3A_99 = arith.constant 0 : i32
    %scan3A_100 = arith.constant 128 : i32
    %scan3A_101 = arith.addi %scan3A_99, %scan3A_100 : i32
    %scan3A_102 = arith.constant 1 : i32
    %scan3A_103:4 = scf.for %scan3A_111 = %scan3A_99 to %scan3A_101 step %scan3A_102 iter_args(%scan3A_112 = %scan3A_77#0, %scan3A_113 = %scan3A_77#1, %scan3A_114 = %scan3A_77#2, %scan3A_115 = %scan3A_77#3) -> (vector<16xf32>, vector<16xf32>, vector<16xf32>, vector<16xf32>)  : i32 {
      %get3A = arith.index_cast %scan3A_111 : i32 to index
      %get3A_116 = arith.constant 0 : index
      %get3A_117 = tpu.vector_load %arg9[%get3A, %get3A_116] {strides = array<i32>} : memref<128x64xf32, #tpu.memory_space<vmem>>, vector<1x16xf32>,
      %get3A_118 = vector.shape_cast %get3A_117 : vector<1x16xf32> to vector<16xf32>
      %get3A_119 = arith.index_cast %scan3A_111 : i32 to index
      %get3A_120 = arith.constant 0 : index
      %get3A_121 = tpu.vector_load %arg10[%get3A_119, %get3A_120] {strides = array<i32>} : memref<128x64xf32, #tpu.memory_space<vmem>>, vector<1x16xf32>,
      %get3A_122 = vector.shape_cast %get3A_121 : vector<1x16xf32> to vector<16xf32>
      %mul3A_123 = arith.mulf %get3A_118, %get3A_122 : vector<16xf32>
      %add3A_124 = arith.addf %scan3A_112, %mul3A_123 : vector<16xf32>
      %get3A_125 = arith.index_cast %scan3A_111 : i32 to index
      %get3A_126 = arith.constant 16 : index
      %get3A_127 = tpu.vector_load %arg9[%get3A_125, %get3A_126] {strides = array<i32>} : memref<128x64xf32, #tpu.memory_space<vmem>>, vector<1x16xf32>,
      %get3A_128 = vector.shape_cast %get3A_127 : vector<1x16xf32> to vector<16xf32>
      %get3A_129 = arith.index_cast %scan3A_111 : i32 to index
      %get3A_130 = arith.constant 16 : index
      %get3A_131 = tpu.vector_load %arg10[%get3A_129, %get3A_130] {strides = array<i32>} : memref<128x64xf32, #tpu.memory_space<vmem>>, vector<1x16xf32>,
      %get3A_132 = vector.shape_cast %get3A_131 : vector<1x16xf32> to vector<16xf32>
      %mul3A_133 = arith.mulf %get3A_128, %get3A_132 : vector<16xf32>
      %add3A_134 = arith.addf %scan3A_113, %mul3A_133 : vector<16xf32>
      %get3A_135 = arith.index_cast %scan3A_111 : i32 to index
      %get3A_136 = arith.constant 32 : index
      %get3A_137 = tpu.vector_load %arg9[%get3A_135, %get3A_136] {strides = array<i32>} : memref<128x64xf32, #tpu.memory_space<vmem>>, vector<1x16xf32>,
      %get3A_138 = vector.shape_cast %get3A_137 : vector<1x16xf32> to vector<16xf32>
      %get3A_139 = arith.index_cast %scan3A_111 : i32 to index
      %get3A_140 = arith.constant 32 : index
      %get3A_141 = tpu.vector_load %arg10[%get3A_139, %get3A_140] {strides = array<i32>} : memref<128x64xf32, #tpu.memory_space<vmem>>, vector<1x16xf32>,
      %get3A_142 = vector.shape_cast %get3A_141 : vector<1x16xf32> to vector<16xf32>
      %mul3A_143 = arith.mulf %get3A_138, %get3A_142 : vector<16xf32>
      %add3A_144 = arith.addf %scan3A_114, %mul3A_143 : vector<16xf32>
      %get3A_145 = arith.index_cast %scan3A_111 : i32 to index
      %get3A_146 = arith.constant 48 : index
      %get3A_147 = tpu.vector_load %arg9[%get3A_145, %get3A_146] {strides = array<i32>} : memref<128x64xf32, #tpu.memory_space<vmem>>, vector<1x16xf32>,
      %get3A_148 = vector.shape_cast %get3A_147 : vector<1x16xf32> to vector<16xf32>
      %get3A_149 = arith.index_cast %scan3A_111 : i32 to index
      %get3A_150 = arith.constant 48 : index
      %get3A_151 = tpu.vector_load %arg10[%get3A_149, %get3A_150] {strides = array<i32>} : memref<128x64xf32, #tpu.memory_space<vmem>>, vector<1x16xf32>,
      %get3A_152 = vector.shape_cast %get3A_151 : vector<1x16xf32> to vector<16xf32>
      %mul3A_153 = arith.mulf %get3A_148, %get3A_152 : vector<16xf32>
      %add3A_154 = arith.addf %scan3A_115, %mul3A_153 : vector<16xf32>
      scf.yield %add3A_124, %add3A_134, %add3A_144, %add3A_154 : vector<16xf32>, vector<16xf32>, vector<16xf32>, vector<16xf32>
    }
    %scan3A_104 = arith.constant 128 : i32
    %add3A_105 = arith.addf %scan3A_103#0, %scan3A_103#1 : vector<16xf32>
    %add3A_106 = arith.addf %add3A_105, %scan3A_103#2 : vector<16xf32>
    %add3A_107 = arith.addf %add3A_106, %scan3A_103#3 : vector<16xf32>
    %swap3A = arith.constant 0 : index
    %swap3A_108 = tpu.vector_load %arg11[%swap3A] {strides = array<i32>} : memref<16xf32, #tpu.memory_space<vmem>>, vector<16xf32>,
    %swap3A_109 = vector.shape_cast %swap3A_108 : vector<16xf32> to vector<16xf32>
    %swap3A_110 = vector.shape_cast %add3A_107 : vector<16xf32> to vector<16xf32>
    tpu.vector_store %arg11[%swap3A], %swap3A_110 {strides = array<i32>} : memref<16xf32, #tpu.memory_space<vmem>>, vector<16xf32>,
    "tpu.region"() ({
      %run_scoped3A = tpu.sem_alloc : memref<!tpu.dma_semaphore, #tpu.memory_space<semaphore_mem>>
      %dma_start3A_111 = arith.constant 0 : i32
      %dma_start3A_112 = tpu.memref_slice %arg6[%add3A, %dma_start3A_111] : memref<32x16xf32, #tpu.memory_space<hbm>> -> memref<1x16xf32, #tpu.memory_space<hbm>>
      %dma_start3A_113 = tpu.memref_squeeze %dma_start3A_112 : memref<1x16xf32, #tpu.memory_space<hbm>> -> memref<16xf32, #tpu.memory_space<hbm>>
      %dma_start3A_114 = arith.constant 0 : i32
      %dma_start3A_115 = tpu.memref_slice %arg6[%add3A, %dma_start3A_114] : memref<32x16xf32, #tpu.memory_space<hbm>> -> memref<1x16xf32, #tpu.memory_space<hbm>>
      %dma_start3A_116 = tpu.memref_squeeze %dma_start3A_115 : memref<1x16xf32, #tpu.memory_space<hbm>> -> memref<16xf32, #tpu.memory_space<hbm>>
      tpu.enqueue_dma source(%arg11 : memref<16xf32, #tpu.memory_space<vmem>>) target(%dma_start3A_116 : memref<16xf32, #tpu.memory_space<hbm>>) target_semaphore(%run_scoped3A : memref<!tpu.dma_semaphore, #tpu.memory_space<semaphore_mem>>)
      %dma_wait3A_117 = arith.constant 0 : i32
      %dma_wait3A_118 = tpu.memref_slice %arg6[%add3A, %dma_wait3A_117] : memref<32x16xf32, #tpu.memory_space<hbm>> -> memref<1x16xf32, #tpu.memory_space<hbm>>
      %dma_wait3A_119 = tpu.memref_squeeze %dma_wait3A_118 : memref<1x16xf32, #tpu.memory_space<hbm>> -> memref<16xf32, #tpu.memory_space<hbm>>
      %dma_wait3A_120 = arith.constant 0 : i32
      %dma_wait3A_121 = tpu.memref_slice %arg6[%add3A, %dma_wait3A_120] : memref<32x16xf32, #tpu.memory_space<hbm>> -> memref<1x16xf32, #tpu.memory_space<hbm>>
      %dma_wait3A_122 = tpu.memref_squeeze %dma_wait3A_121 : memref<1x16xf32, #tpu.memory_space<hbm>> -> memref<16xf32, #tpu.memory_space<hbm>>
      tpu.wait_dma2 semaphore(%run_scoped3A : memref<!tpu.dma_semaphore, #tpu.memory_space<semaphore_mem>>) src(%arg11 : memref<16xf32, #tpu.memory_space<vmem>>) dst(%dma_wait3A_122 : memref<16xf32, #tpu.memory_space<hbm>>)
      tpu.yield
    }) : () -> ()
    return
  }
}

module attributes {stable_mosaic.version = 14 : i64} {
  func.func @_combine_body(%arg0: memref<32x16xf32, #tpu.memory_space<vmem>>, %arg1: memref<128x128xf32, #tpu.memory_space<vmem>>) attributes {dimension_semantics = [], scalar_prefetch = 0 : i64, scratch_operands = 0 : i64, tpu.core_type = #tpu.core_type<tc>} {
    %get3A = arith.constant 0 : index
    %get3A_0 = arith.constant 0 : index
    %get3A_1 = vector.load %arg0[%get3A, %get3A_0] : memref<32x16xf32, #tpu.memory_space<vmem>>, vector<32x16xf32>
    %reduce_sum3A = vector.shape_cast %get3A_1 : vector<32x16xf32> to vector<1x32x16xf32>
    %reduce_sum3A_2 = arith.constant dense<0.000000e+00> : vector<1xf32>
    %reduce_sum3A_3 = vector.multi_reduction <add>, %reduce_sum3A, %reduce_sum3A_2 [1, 2] : vector<1x32x16xf32> to vector<1xf32>
    %reduce_sum3A_4 = vector.shape_cast %reduce_sum3A_3 : vector<1xf32> to vector<1x1x1xf32>
    %reduce_sum3A_5 = vector.extract %reduce_sum3A_4[0, 0, 0] : f32 from vector<1x1x1xf32>
    %broadcast_in_dim3A = arith.constant 0.000000e+00 : f32
    %broadcast_in_dim3A_6 = vector.broadcast %broadcast_in_dim3A : f32 to vector<128x128xf32>
    %add3A = vector.broadcast %reduce_sum3A_5 : f32 to vector<128x128xf32>
    %add3A_7 = arith.addf %broadcast_in_dim3A_6, %add3A : vector<128x128xf32>
    %logistic3A = arith.negf %add3A_7 : vector<128x128xf32>
    %logistic3A_8 = math.exp %logistic3A : vector<128x128xf32>
    %logistic3A_9 = arith.constant 1.000000e+00 : f32
    %logistic3A_10 = vector.broadcast %logistic3A_9 : f32 to vector<128x128xf32>
    %logistic3A_11 = arith.addf %logistic3A_10, %logistic3A_8 : vector<128x128xf32>
    %logistic3A_12 = arith.divf %logistic3A_10, %logistic3A_11 : vector<128x128xf32>
    %swap3A = arith.constant 0 : index
    %swap3A_13 = arith.constant 0 : index
    %swap3A_14 = vector.load %arg1[%swap3A, %swap3A_13] : memref<128x128xf32, #tpu.memory_space<vmem>>, vector<128x128xf32>
    tpu.vector_store %arg1[%swap3A, %swap3A_13], %logistic3A_12 {strides = array<i32>} : memref<128x128xf32, #tpu.memory_space<vmem>>, vector<128x128xf32>,
    return
  }
}

</mosaic_0001>

<sc_bundles>
// kernel: kernel.4.cloned.1.call-start
scs
__scs_entry_jumppad:
0x0: {  	(pc) =	sbr.rel $0x88, $3  }
0x1: {  	(tag) =	ssettag $0x0;
	lr =	simm.s32 $0x1  }
0x2: {  	[smem:$0x3F9E] =	sst lr;
	_ =	strace $0xD0000000  }
0x3: {  	_ = 	snop  }
0x4: {  	_ = 	snop  }
0x5: {  	_ = 	snop  }
0x6: {  	_ = 	snop  }
0x7: {  	_ = 	snop  }
__scs_overlays_trampoline_lowered:
0x8: {  	[smem:$0x3FAD] =	sst s0  }
0x9: {  	[smem:$0x3FAE] =	sst s1  }
0xa: {  	[smem:$0x3FAF] =	sst s2  }
0xb: {  	[smem:$0x3FB0] =	sst s3  }
0xc: {  	[smem:$0x3FB1] =	sst s4  }
0xd: {  	[smem:$0x3FB2] =	sst s5  }
0xe: {  	[smem:$0x3FB3] =	sst s6  }
0xf: {  	[smem:$0x3FB4] =	sst s7  }
0x10: {  	[smem:$0x3FB5] =	sst s8  }
0x11: {  	[smem:$0x3FB6] =	sst s9;
	s0 =	simm.s32 @!p0 $0x0  }
0x12: {  	s1 =	sld [smem:$0x3F9C];
	s0 =	simm.s32 @p0 $0x1  }
0x13: {  	[smem:$0x3FB7] =	sst s0;
	s0 =	simm.s32 @!p1 $0x0  }
0x14: {  	s2 =	sld [smem:$0x3F9B];
	s0 =	simm.s32 @p1 $0x1  }
0x15: {  	[smem:$0x3FB8] =	sst s0;
	s0 =	simm.s32 @!p2 $0x0  }
0x16: {  	s3 =	sld [smem:$0x3FDB];
	s0 =	simm.s32 @p2 $0x1  }
0x17: {  	s4 =	simm.s32 $0x1BF5;
	[smem:$0x3FBA] =	sst s0  }
0x18: {  	s0 =	sld [smem:$0x3F9D];
	_ =	swait.ge [sflag:s4], $0x0  }
0x19: {  	s7 =	sld [smem:$0x3F9E]  }
0x1a: {  	s8 =	sadd.s32 $0xFFFFE003, lr  }
0x1b: {  	s9 =	sadd.s32 $0xFFFFFEF7, lr;
	s5 =	simm.s32 $0xFFFFFFFF;
	p2 =	slt.u32 s8, $0xFFFFF086  }
0x1c: {  	p1 =	slt.u32 s9, $0xF7A;
	s5 =	simm.s32 @!p2 $0x0  }
0x1d: {  	s5 =	simm.s32 @p1 $0x1;
	p0 =	seq.s32 s7, s2  }
0x1e: {  	s7 =	smul.u32 @!p0 $0xF7A, s2;
	p2 =	seq.s32 @!p0 s5, $0x0  }
0x1f: {  	s9 =	smul.u32 $0xF7A, s1;
	s8 =	simm.s32 @!p0 $0x1BF5;
	p2 =	por !p2, p0  }
0x20: {  	[sflag:s8] =	ssyncset.s32 @!p0 $0xFFFFF086;
	s6 =	sadd.s32 @!p0 s3, s7;
	s7 =	simm.s32 @!p0 $0x108  }
0x21: {  	s3 =	sadd.s32 s3, s9;
	s6 =	sadd.s32 @!p0 $0x88, s6;
	s7 =	simm.s32 @p2 $0x1082  }
0x22: {  	[simem:s7], [sflag:s8] =	dma.local @!p0 [hbm:s6], $0xF7A  }
0x23: {  	s9 =	sor.u32 $0xD0000000, s2;
	s6 =	simm.s32 $0x108;
	_ =	swait.ge @!p0 [sflag:s8], $0x0  }
0x24: {  	s3 =	sadd.s32 $0x88, s3;
	s6 =	simm.s32 @!p1 $0x1082;
	[sflag:s4] =	ssyncset.s32 $0xFFFFF086  }
0x25: {  	[simem:s6], [sflag:s4] =	dma.local [hbm:s3], $0xF7A  }
0x26: {  	[smem:$0x3F9E] =	sst s1;
	(tag) =	ssettag s2;
	_ =	strace s9  }
0x27: {  	s1 =	sld [smem:$0x3FAE]  }
0x28: {  	s2 =	sld [smem:$0x3FAF]  }
0x29: {  	s4 =	sld [smem:$0x3FB1]  }
0x2a: {  	p0 =	seq.s32 s5, $0x0;
	s5 =	sld [smem:$0x3FB2]  }
0x2b: {  	s6 =	sld [smem:$0x3FB3]  }
0x2c: {  	s7 =	sld [smem:$0x3FB4]  }
0x2d: {  	s3 =	simm.s32 $0x108;
	s8 =	sld [smem:$0x3FB5]  }
0x2e: {  	s3 =	simm.s32 @!p0 $0x1082;
	s9 =	sld [smem:$0x3FB6]  }
0x2f: {  	lr =	sadd.s32 s0, s3;
	s0 =	sld [smem:$0x3FAD]  }
0x30: {  	s3 =	sld [smem:$0x3FB0]  }
0x31: {  	[smem:$0x3FB9] =	sst s10  }
0x32: {  	s10 =	sld [smem:$0x3FB7];
	_ =	sdelay $0x3  }
0x33: {  	p0 =	seq.s32 s10, $0x1;
	s10 =	sld [smem:$0x3FB9];
	_ =	sdelay $0x3  }
0x34: {  	[smem:$0x3FB9] =	sst s10  }
0x35: {  	s10 =	sld [smem:$0x3FB8];
	_ =	sdelay $0x3  }
0x36: {  	p1 =	seq.s32 s10, $0x1;
	s10 =	sld [smem:$0x3FB9];
	_ =	sdelay $0x3  }
0x37: {  	[smem:$0x3FB9] =	sst s10  }
0x38: {  	s10 =	sld [smem:$0x3FBA]  }
0x39: {  	_ = 	snop;
	(pc) =	sbr.ind lr, $3  }
0x3a: {  	_ = 	snop  }
0x3b: {  	_ = 	snop  }
0x3c: {  	p2 =	seq.s32 s10, $0x1;
	s10 =	sld [smem:$0x3FB9]  }
0x3d: {  	_ =	shalt  }
0x3e: {  	_ =	shalt  }
0x3f: {  	_ =	shalt  }
0x40: {  	_ =	shalt  }
0x41: {  	_ =	shalt  }
0x42: {  	_ =	shalt  }
0x43: {  	_ =	shalt  }
0x44: {  	_ =	shalt  }
0x45: {  	_ =	shalt  }
0x46: {  	_ =	shalt  }
0x47: {  	_ =	shalt  }
0x48: {  	_ =	shalt  }
0x49: {  	_ =	shalt  }
0x4a: {  	_ =	shalt  }
0x4b: {  	_ =	shalt  }
0x4c: {  	_ =	shalt  }
0x4d: {  	_ =	shalt  }
0x4e: {  	_ =	shalt  }
0x4f: {  	_ =	shalt  }
0x50: {  	_ =	shalt  }
0x51: {  	_ =	shalt  }
0x52: {  	_ =	shalt  }
0x53: {  	_ =	shalt  }
0x54: {  	_ =	shalt  }
0x55: {  	_ =	shalt  }
0x56: {  	_ =	shalt  }
0x57: {  	_ =	shalt  }
0x58: {  	_ =	shalt  }
0x59: {  	_ =	shalt  }
0x5a: {  	_ =	shalt  }
0x5b: {  	_ =	shalt  }
0x5c: {  	_ =	shalt  }
0x5d: {  	_ =	shalt  }
0x5e: {  	_ =	shalt  }
0x5f: {  	_ =	shalt  }
0x60: {  	_ =	shalt  }
0x61: {  	_ =	shalt  }
0x62: {  	_ =	shalt  }
0x63: {  	_ =	shalt  }
0x64: {  	_ =	shalt  }
0x65: {  	_ =	shalt  }
0x66: {  	_ =	shalt  }
0x67: {  	_ =	shalt  }
0x68: {  	_ =	shalt  }
0x69: {  	_ =	shalt  }
0x6a: {  	_ =	shalt  }
0x6b: {  	_ =	shalt  }
0x6c: {  	_ =	shalt  }
0x6d: {  	_ =	shalt  }
0x6e: {  	_ =	shalt  }
0x6f: {  	_ =	shalt  }
0x70: {  	_ =	shalt  }
0x71: {  	_ =	shalt  }
0x72: {  	_ =	shalt  }
0x73: {  	_ =	shalt  }
0x74: {  	_ =	shalt  }
0x75: {  	_ =	shalt  }
0x76: {  	_ =	shalt  }
0x77: {  	_ =	shalt  }
0x78: {  	_ =	shalt  }
0x79: {  	_ =	shalt  }
0x7a: {  	_ =	shalt  }
0x7b: {  	_ =	shalt  }
0x7c: {  	_ =	shalt  }
0x7d: {  	_ =	shalt  }
0x7e: {  	_ =	shalt  }
0x7f: {  	_ =	shalt  }
0x80: {  	_ =	shalt  }
0x81: {  	_ =	shalt  }
0x82: {  	_ =	shalt  }
0x83: {  	_ =	shalt  }
0x84: {  	_ =	shalt  }
0x85: {  	_ =	shalt  }
0x86: {  	_ =	shalt  }
0x87: {  	_ =	shalt  }
.Lfunc_end0:
.L_simem_size_0:
called_computation_lowered:
.L_overlay_start_0:
0x88: {  	s2 =	sld [smem:$0x3FD9]  }
0x89: {  	s3 =	sld [smem:$0x3FFE];
	_ =	sdelay $0x1  }
0x8a: {  	s1 =	srdreg.scid  }
0x8b: {  	s0 =	sand.u32 $0x1, s1  }
0x8c: {  	s17 =	sshll.u32 s0, $0xA;
	s2 =	sadd.s32 s3, s2  }
0x8d: {  	s2 =	sadd.s32 s2, s17  }
0x8e: {  	[smem:$0x3FC5] =	sst s2  }
0x8f: {  	_ = 	snop  }
0x90: {  	s2 =	sld [smem:$0x3FD0];
	(tm) =	ssettm $0x1  }
0x91: {  	s18 =	sld [smem:$0x3FFB];
	_ =	sdelay $0x3  }
0x92: {  	_ =	strace s18  }
0x93: {  	s3 =	sld [smem:$0x3FFC];
	_ =	sdelay $0x3  }
0x94: {  	_ =	strace s3  }
0x95: {  	s3 =	sld [smem:$0x3FFD];
	_ =	sdelay $0x3  }
0x96: {  	_ =	strace s3  }
0x97: {  	_ =	strace $0x8FFFFFFF  }
0x98: {  	s19 =	sld [smem:$0x3FDB];
	_ =	sdelay $0x1  }
0x99: {  	s4 =	simm.s32 $_scs_section_size  }
0x9a: {  	s5 =	simm.s32 $_size__tile_overlayer_lowered;
	s6 =	simm.s32 $_tile_overlayer_lowered  }
0x9b: {  	s22 =	simm.s32 $0x1BFF;
	s21 =	sshll.u32 s6, $0x1;
	s3 =	sadd.s32 s4, s19  }
0x9c: {  	s7 =	simm.s32 $0x0;
	s20 =	sshll.u32 s5, $0x1;
	s5 =	sadd.s32 s21, s3  }
0x9d: {  	[timem:s7], [sflag:s22] =	dma.local [hbm:s5], s20  }
0x9e: {  	_ =	swait.ge [sflag:s22], s20  }
0x9f: {  	s4 =	ssub.s32 $0x0, s20;
	[sflag:s22] =	ssyncset.done $0x0  }
0xa0: {  	[sflag:s22] =	ssyncadd.s32 s4;
	_ =	sdelay $0x1  }
0xa1: {  	s23 =	simm.s32 $0x1B8B  }
0xa2: {  	_ =	swait.ge [sflag:s23], $0x1  }
0xa3: {  	[sflag:s23] =	ssyncset.done $0x0  }
0xa4: {  	s25 =	simm.s32 $0x1B8E;
	s24 =	sld [smem:$0x3FFE];
	[sflag:s23] =	ssyncadd.s32 $0xFFFFFFFF  }
0xa5: {  	s26 =	simm.s32 $execute0_lowered;
	[smem:$0x3FD2] =	sst s25  }
0xa6: {  	s5 =	sshll.u32 s26, $0x1;
	_ =	strace $0x80000046;
	[dreg:$0x1] =	wrdreg $0xFFFFFFFF  }
0xa7: {  	s28 =	simm.s32 $_size_execute0_lowered;
	s3 =	sadd.s32 s3, s5;
	[dreg:$0x0] =	wrdreg $0x0  }
0xa8: {  	s5 =	sshll.u32 s28, $0x1;
	[dreg:$0x2] =	wrdreg s3  }
0xa9: {  	[dreg:$0x3] =	wrdreg s5  }
0xaa: {  	[dreg:$0x4] =	wrdreg $0xC0  }
0xab: {  	_ =	task [dreg:s7], $0x5FFFF  }
0xac: {  	[dreg:$0x1] =	wrdreg $0xFFFFFFFF  }
0xad: {  	[dreg:$0x0] =	wrdreg $0x60  }
0xae: {  	[dreg:$0x2] =	wrdreg s24  }
0xaf: {  	[dreg:$0x3] =	wrdreg s2  }
0xb0: {  	[dreg:$0x4] =	wrdreg $0x9  }
0xb1: {  	_ =	task.clear_ibuf [dreg:s7], $0x5FFFF;
	_ =	strace $0x90000046  }
0xb2: {  	s29 =	simm.s32 $0x9;
	_ =	strace $0x80000048  }
0xb3: {  	_ =	swait.ge [sflag:s29], $0x1  }
0xb4: {  	[sflag:s29] =	ssyncadd.s32 $0xFFFFFFFF  }
0xb5: {  	_ =	strace $0x90000048  }
0xb6: {  	_ =	sfence  }
0xb7: {  	s30 =	sld [smem:$0x0];
	_ =	sdelay $0x2  }
0xb8: {  	s31 =	sshll.u32 s1, $0xD;
	s1 =	sshrl.u32 s1, $0x2  }
0xb9: {  	s3 =	sand.u32 $0x4000, s31;
	s1 =	sadd.s32 s1, s30  }
0xba: {  	s0 =	sor.u32 s3, s0;
	s1 =	sshll.u32 s1, $0x11  }
0xbb: {  	s0 =	sor.u32 s1, s0  }
0xbc: {  	s0 =	sadd.s32 $0x8F2B, s0  }
0xbd: {  	[sflag:s0] =	ssyncadd.remote.s32 $0x1  }
0xbe: {  	_ =	sfence.sel $0xFFFF  }
0xbf: {  	[dreg:$0x0] =	wrdreg $0xFFFFFFFF;
	(pc) =	sbr.abs _section_cstart, $3  }
0xc0: {  	[dreg:$0x1] =	wrdreg $0xFFFFFFFF  }
0xc1: {  	_ =	task.clear_ibuf [dreg:s7], $0x2FFFF;
	_ =	strace $0x9FFFFFFF  }
0xc2: {  	(tm) =	ssettm $0x7FFFFFFF  }
0xc3: {  	_ =	shalt  }
tec
execute0_lowered:
.L_overlay_start_1:
0x0: {  	(tag) =	ssettag $0x1  }
0x1: {  	s5 =	rddreg [dreg:$0x0];
	s1 =	srdreg.scid  }
0x2: {  	s0 =	stileid.u32;
	s6 =	rddreg [dreg:$0x1]  }
0x3: {  	s2 =	simm.s32 $0x0;
	s11 =	simm.s32 $0x80;
	s12 =	simm.s32 $0x400  }
0x4: {  	s13 =	simm.s32 $0x2400;
	s14 =	simm.s32 $0x1;
	s15 =	simm.s32 $0x280  }
0x5: {  	s16 =	simm.s32 $0x100;
	s17 =	simm.s32 $0x300;
	s18 =	simm.s32 $0x180  }
0x6: {  	s19 =	simm.s32 $0x380;
	s20 =	simm.s32 $0x4400;
	s21 =	simm.s32 $0x0  }
0x7: {  	s4 =	sand.u32 $0x1, s1;
	s3 =	sshll.u32 s0, $0x1;
	[smem:$0x7FF] =	sst s2  }
0x8: {  	s1 =	rddreg [dreg:$0x2];
	s7 =	sor.u32 s4, s3;
	_ =	strace $0x80000047  }
0x9: {  	s3 =	sadd.s32 $0xF43200, s5;
	s10 =	ssub.s32 $0x2, s4;
	s4 =	sadd.s32 $0x16E4400, s5  }
0xa: {  	s8 =	sshll.u32 s7, $0x6;
	s7 =	sshll.u32 s7, $0x1;
	s31 =	sshrl.u32 s10, $0x1  }
0xb: {  	s9 =	sadd.s32 s8, s5;
	s7 =	sadd.s32 s7, s5;
	s10 =	ssub.s32 s10, s31  }
0xc: {  	s6 =	sadd.s32 s6, s8;
	s5 =	sadd.s32 $0x600, s9;
	s7 =	sadd.s32 $0xE00, s7  }
0xd: {  	s8 =	smax.u32 s10, $0x1;
	s9 =	simm.s32 $0x2;
	s10 =	simm.s32 $0x200  }
.LBB2_1:
0xe: {  	[tilespmem:s2], [sflag:$0x2] =	stream.linear.gather [hbm4b:s5+s2], $0x200, $0x38;
	[tilespmem:$0x4410] =	vst v63  }
0xf: {  	_ =	swait.ge [sflag:s9], $0x200  }
0x10: {  	[sflag:s9] =	ssyncset.done $0x0  }
0x11: {  	[sflag:s9] =	ssyncadd.s32 $0xFFFFFE00  }
0x12: {  	[tilespmem:s10], [sflag:$0x2] =	stream.linear.gather [hbm4b:s6+s2], $0x200, $0x38;
	[tilespmem:$0x4410] =	vst v63  }
0x13: {  	_ =	swait.ge [sflag:s9], $0x200  }
0x14: {  	[sflag:s9] =	ssyncset.done $0x0  }
0x15: {  	[sflag:s9] =	ssyncadd.s32 $0xFFFFFE00  }
0x16: {  	[tilespmem:s12], [sflag:$0x1] =	stream.indirect.gather [hbm4b:s3+s11], $0x40, s2, s11, $0xb8;
	[tilespmem:$0x4410] =	vst v63  }
0x17: {  	_ = 	snop  }
0x18: {  	[tilespmem:s13], [sflag:$0x1] =	stream.indirect.gather [hbm4b:s4+s11], $0x40, s10, s11, $0xb8;
	[tilespmem:$0x4410] =	vst v63  }
0x19: {  	_ =	swait.ge [sflag:s14], $0x2000  }
0x1a: {  	[sflag:s14] =	ssyncset.done $0x0  }
0x1b: {  	[sflag:s14] =	ssyncadd.s32 $0xFFFFE000  }
0x1c: {  	_ =	swait.ge [sflag:s14], $0x2000  }
0x1d: {  	[sflag:s14] =	ssyncset.done $0x0  }
0x1e: {  	s23 =	simm.s32 $0x0;
	[sflag:s14] =	ssyncadd.s32 $0xFFFFE000  }
0x1f: {  	v0 =	vld [tilespmem:s23+$0x430]  }
0x20: {  	v1 =	vld [tilespmem:s23+$0x2430]  }
0x21: {  	v4 =	vld [tilespmem:s23+$0x400]  }
0x22: {  	v5 =	vld [tilespmem:s23+$0x2400];
	_ =	sdelay $0x1  }
0x23: {  	v2 =	vld [tilespmem:s23+$0x410]  }
0x24: {  	v7 =	vld [tilespmem:s23+$0x2410]  }
0x25: {  	v3 =	vld [tilespmem:s23+$0x420];
	v0 =	vmul.f32 v1, v0  }
0x26: {  	s22 =	simm.s32 $0x40;
	v8 =	vld [tilespmem:s23+$0x2420];
	v1 =	vimm.f32 $0.0e+00;
	v9 =	vmul.f32 v5, v4  }
0x27: {  	v6 =	vld [tilespmem:s22+$0x430];
	s23 =	simm.s32 $0x200;
	v5 =	vimm.f32 $0.0e+00;
	v4 =	vimm.f32 $0.0e+00;
	v0 =	vadd.f32 v0, v1  }
.LBB2_2:
0x28: {  	p0 =	sne.s32 s23, $0x7F00;
	v10 =	vld [tilespmem:s22+$0x2430]  }
0x29: {  	v11 =	vld [tilespmem:s22+$0x400];
	v1 =	vadd.f32 v9, v1;
	v7 =	vmul.f32 v7, v2  }
0x2a: {  	v9 =	vld [tilespmem:s22+$0x2400]  }
.Ltmp0:
0x2b: {  	v2 =	vld [tilespmem:s22+$0x410];
	v5 =	vadd.f32 v7, v5;
	v8 =	vmul.f32 v8, v3;
	(pc) =	sbr.rel @p0 .LBB2_2-.Ltmp0, $4  }
0x2c: {  	v7 =	vld [tilespmem:s22+$0x2410]  }
0x2d: {  	v3 =	vld [tilespmem:s22+$0x420];
	v10 =	vmul.f32 v10, v6;
	v4 =	vadd.f32 v8, v4  }
0x2e: {  	v8 =	vld [tilespmem:s22+$0x2420];
	s22 =	sshra.s32 s23, $0x2  }
0x2f: {  	s23 =	sadd.s32 $0x100, s23;
	v6 =	vld [tilespmem:s22+$0x430];
	v9 =	vmul.f32 v9, v11;
	v0 =	vadd.f32 v10, v0  }
0x30: {  	v10 =	vld [tilespmem:s22+$0x2430]  }
0x31: {  	v11 =	vld [tilespmem:s22+$0x400]  }
0x32: {  	v12 =	vld [tilespmem:s22+$0x2400]  }
0x33: {  	v13 =	vld [tilespmem:s22+$0x410]  }
0x34: {  	v14 =	vld [tilespmem:s22+$0x2410]  }
0x35: {  	v15 =	vld [tilespmem:s22+$0x420]  }
0x36: {  	v16 =	vld [tilespmem:s22+$0x2420];
	[tilespmem:s12], [sflag:$0x1] =	stream.indirect.gather [hbm4b:s3+s11], $0x40, s11, s11, $0xb8  }
0x37: {  	_ = 	snop  }
0x38: {  	[tilespmem:s13], [sflag:$0x1] =	stream.indirect.gather [hbm4b:s4+s11], $0x40, s15, s11, $0xb8;
	[tilespmem:$0x4410] =	vst v63  }
0x39: {  	_ =	swait.ge [sflag:s14], $0x2000  }
0x3a: {  	[sflag:s14] =	ssyncset.done $0x0  }
0x3b: {  	[sflag:s14] =	ssyncadd.s32 $0xFFFFE000  }
0x3c: {  	_ =	swait.ge [sflag:s14], $0x2000  }
0x3d: {  	[sflag:s14] =	ssyncset.done $0x0  }
0x3e: {  	s23 =	simm.s32 $0x0;
	[sflag:s14] =	ssyncadd.s32 $0xFFFFE000  }
0x3f: {  	v17 =	vld [tilespmem:s23+$0x430]  }
0x40: {  	v18 =	vld [tilespmem:s23+$0x2430]  }
0x41: {  	v2 =	vmul.f32 v7, v2;
	v19 =	vld [tilespmem:s23+$0x400]  }
0x42: {  	v3 =	vmul.f32 v8, v3;
	v20 =	vld [tilespmem:s23+$0x2400]  }
0x43: {  	v7 =	vadd.f32 v9, v1;
	v2 =	vadd.f32 v2, v5;
	v5 =	vmul.f32 v10, v6;
	v1 =	vld [tilespmem:s23+$0x410]  }
0x44: {  	v3 =	vadd.f32 v3, v4;
	v4 =	vmul.f32 v12, v11;
	v8 =	vmul.f32 v14, v13;
	v6 =	vld [tilespmem:s23+$0x2410]  }
0x45: {  	v9 =	vmul.f32 v16, v15;
	v10 =	vadd.f32 v5, v0;
	v5 =	vld [tilespmem:s23+$0x420];
	v11 =	vmul.f32 v18, v17  }
0x46: {  	s22 =	simm.s32 $0x40;
	v0 =	vadd.f32 v4, v7;
	v2 =	vadd.f32 v8, v2;
	v8 =	vld [tilespmem:s23+$0x2420]  }
0x47: {  	v3 =	vadd.f32 v9, v3;
	v7 =	vld [tilespmem:s22+$0x430];
	s23 =	simm.s32 $0x200;
	v9 =	vmul.f32 v20, v19;
	v4 =	vadd.f32 v11, v10  }
.LBB2_4:
0x48: {  	p0 =	sne.s32 s23, $0x7F00;
	v10 =	vld [tilespmem:s22+$0x2430]  }
0x49: {  	v11 =	vld [tilespmem:s22+$0x400];
	v0 =	vadd.f32 v9, v0;
	v6 =	vmul.f32 v6, v1  }
0x4a: {  	v9 =	vld [tilespmem:s22+$0x2400]  }
.Ltmp1:
0x4b: {  	v1 =	vld [tilespmem:s22+$0x410];
	v2 =	vadd.f32 v6, v2;
	v8 =	vmul.f32 v8, v5;
	(pc) =	sbr.rel @p0 .LBB2_4-.Ltmp1, $4  }
0x4c: {  	v6 =	vld [tilespmem:s22+$0x2410]  }
0x4d: {  	v5 =	vld [tilespmem:s22+$0x420];
	v10 =	vmul.f32 v10, v7;
	v3 =	vadd.f32 v8, v3  }
0x4e: {  	v8 =	vld [tilespmem:s22+$0x2420];
	s22 =	sshra.s32 s23, $0x2  }
0x4f: {  	s23 =	sadd.s32 $0x100, s23;
	v7 =	vld [tilespmem:s22+$0x430];
	v9 =	vmul.f32 v9, v11;
	v4 =	vadd.f32 v10, v4  }
0x50: {  	v10 =	vld [tilespmem:s22+$0x2430]  }
0x51: {  	v11 =	vld [tilespmem:s22+$0x400]  }
0x52: {  	v12 =	vld [tilespmem:s22+$0x2400]  }
0x53: {  	v13 =	vld [tilespmem:s22+$0x410]  }
0x54: {  	v14 =	vld [tilespmem:s22+$0x2410]  }
0x55: {  	v15 =	vld [tilespmem:s22+$0x420]  }
0x56: {  	v16 =	vld [tilespmem:s22+$0x2420];
	[tilespmem:s12], [sflag:$0x1] =	stream.indirect.gather [hbm4b:s3+s11], $0x40, s16, s11, $0xb8  }
0x57: {  	_ = 	snop  }
0x58: {  	[tilespmem:s13], [sflag:$0x1] =	stream.indirect.gather [hbm4b:s4+s11], $0x40, s17, s11, $0xb8;
	[tilespmem:$0x4410] =	vst v63  }
0x59: {  	_ =	swait.ge [sflag:s14], $0x2000  }
0x5a: {  	[sflag:s14] =	ssyncset.done $0x0  }
0x5b: {  	[sflag:s14] =	ssyncadd.s32 $0xFFFFE000  }
0x5c: {  	_ =	swait.ge [sflag:s14], $0x2000  }
0x5d: {  	[sflag:s14] =	ssyncset.done $0x0  }
0x5e: {  	s23 =	simm.s32 $0x0;
	[sflag:s14] =	ssyncadd.s32 $0xFFFFE000  }
0x5f: {  	v17 =	vld [tilespmem:s23+$0x430]  }
0x60: {  	v18 =	vld [tilespmem:s23+$0x2430]  }
0x61: {  	v1 =	vmul.f32 v6, v1;
	v19 =	vld [tilespmem:s23+$0x400]  }
0x62: {  	v5 =	vmul.f32 v8, v5;
	v20 =	vld [tilespmem:s23+$0x2400]  }
0x63: {  	v8 =	vadd.f32 v9, v0;
	v2 =	vadd.f32 v1, v2;
	v1 =	vmul.f32 v10, v7;
	v0 =	vld [tilespmem:s23+$0x410]  }
0x64: {  	v3 =	vadd.f32 v5, v3;
	v7 =	vmul.f32 v12, v11;
	v9 =	vmul.f32 v14, v13;
	v6 =	vld [tilespmem:s23+$0x2410]  }
0x65: {  	v10 =	vmul.f32 v16, v15;
	v4 =	vadd.f32 v1, v4;
	v5 =	vld [tilespmem:s23+$0x420];
	v11 =	vmul.f32 v18, v17  }
0x66: {  	s22 =	simm.s32 $0x40;
	v1 =	vadd.f32 v7, v8;
	v2 =	vadd.f32 v9, v2;
	v8 =	vld [tilespmem:s23+$0x2420]  }
0x67: {  	v3 =	vadd.f32 v10, v3;
	v7 =	vld [tilespmem:s22+$0x430];
	s23 =	simm.s32 $0x200;
	v9 =	vmul.f32 v20, v19;
	v4 =	vadd.f32 v11, v4  }
.LBB2_6:
0x68: {  	p0 =	sne.s32 s23, $0x7F00;
	v10 =	vld [tilespmem:s22+$0x2430]  }
0x69: {  	v11 =	vld [tilespmem:s22+$0x400];
	v1 =	vadd.f32 v9, v1;
	v6 =	vmul.f32 v6, v0  }
0x6a: {  	v9 =	vld [tilespmem:s22+$0x2400]  }
.Ltmp2:
0x6b: {  	v0 =	vld [tilespmem:s22+$0x410];
	v2 =	vadd.f32 v6, v2;
	v8 =	vmul.f32 v8, v5;
	(pc) =	sbr.rel @p0 .LBB2_6-.Ltmp2, $4  }
0x6c: {  	v6 =	vld [tilespmem:s22+$0x2410]  }
0x6d: {  	v5 =	vld [tilespmem:s22+$0x420];
	v10 =	vmul.f32 v10, v7;
	v3 =	vadd.f32 v8, v3  }
0x6e: {  	v8 =	vld [tilespmem:s22+$0x2420];
	s22 =	sshra.s32 s23, $0x2  }
0x6f: {  	s23 =	sadd.s32 $0x100, s23;
	v7 =	vld [tilespmem:s22+$0x430];
	v9 =	vmul.f32 v9, v11;
	v4 =	vadd.f32 v10, v4  }
0x70: {  	v10 =	vld [tilespmem:s22+$0x2430]  }
0x71: {  	v11 =	vld [tilespmem:s22+$0x400]  }
0x72: {  	v12 =	vld [tilespmem:s22+$0x2400]  }
0x73: {  	v13 =	vld [tilespmem:s22+$0x410]  }
0x74: {  	v14 =	vld [tilespmem:s22+$0x2410]  }
0x75: {  	v15 =	vld [tilespmem:s22+$0x420]  }
0x76: {  	v16 =	vld [tilespmem:s22+$0x2420];
	[tilespmem:s12], [sflag:$0x1] =	stream.indirect.gather [hbm4b:s3+s11], $0x40, s18, s11, $0xb8  }
0x77: {  	_ = 	snop  }
0x78: {  	[tilespmem:s13], [sflag:$0x1] =	stream.indirect.gather [hbm4b:s4+s11], $0x40, s19, s11, $0xb8;
	[tilespmem:$0x4410] =	vst v63  }
0x79: {  	_ =	swait.ge [sflag:s14], $0x2000  }
0x7a: {  	[sflag:s14] =	ssyncset.done $0x0  }
0x7b: {  	[sflag:s14] =	ssyncadd.s32 $0xFFFFE000  }
0x7c: {  	_ =	swait.ge [sflag:s14], $0x2000  }
0x7d: {  	[sflag:s14] =	ssyncset.done $0x0  }
0x7e: {  	s23 =	simm.s32 $0x0;
	[sflag:s14] =	ssyncadd.s32 $0xFFFFE000  }
0x7f: {  	v17 =	vld [tilespmem:s23+$0x430]  }
0x80: {  	v18 =	vld [tilespmem:s23+$0x2430]  }
0x81: {  	v0 =	vmul.f32 v6, v0;
	v19 =	vld [tilespmem:s23+$0x400]  }
0x82: {  	v5 =	vmul.f32 v8, v5;
	v20 =	vld [tilespmem:s23+$0x2400]  }
0x83: {  	v8 =	vadd.f32 v9, v1;
	v0 =	vadd.f32 v0, v2;
	v2 =	vmul.f32 v10, v7;
	v1 =	vld [tilespmem:s23+$0x410]  }
0x84: {  	v3 =	vadd.f32 v5, v3;
	v5 =	vmul.f32 v12, v11;
	v9 =	vmul.f32 v14, v13;
	v7 =	vld [tilespmem:s23+$0x2410]  }
0x85: {  	v11 =	vmul.f32 v16, v15;
	v10 =	vadd.f32 v2, v4;
	v6 =	vld [tilespmem:s23+$0x420];
	v63 =	vmul.f32 v18, v17  }
0x86: {  	s22 =	simm.s32 $0x40;
	v4 =	vadd.f32 v5, v8;
	v2 =	vadd.f32 v9, v0;
	v8 =	vld [tilespmem:s23+$0x2420]  }
0x87: {  	v3 =	vadd.f32 v11, v3;
	v5 =	vld [tilespmem:s22+$0x430];
	s23 =	simm.s32 $0x200;
	v9 =	vmul.f32 v20, v19;
	v0 =	vadd.f32 v63, v10  }
.LBB2_8:
0x88: {  	p0 =	sne.s32 s23, $0x7F00;
	v10 =	vld [tilespmem:s22+$0x2430]  }
0x89: {  	v11 =	vld [tilespmem:s22+$0x400];
	v4 =	vadd.f32 v9, v4;
	v7 =	vmul.f32 v7, v1  }
0x8a: {  	v9 =	vld [tilespmem:s22+$0x2400]  }
.Ltmp3:
0x8b: {  	v1 =	vld [tilespmem:s22+$0x410];
	v2 =	vadd.f32 v7, v2;
	v8 =	vmul.f32 v8, v6;
	(pc) =	sbr.rel @p0 .LBB2_8-.Ltmp3, $4  }
0x8c: {  	v7 =	vld [tilespmem:s22+$0x2410]  }
0x8d: {  	v6 =	vld [tilespmem:s22+$0x420];
	v10 =	vmul.f32 v10, v5;
	v3 =	vadd.f32 v8, v3  }
0x8e: {  	v8 =	vld [tilespmem:s22+$0x2420];
	s22 =	sshra.s32 s23, $0x2  }
0x8f: {  	s23 =	sadd.s32 $0x100, s23;
	v5 =	vld [tilespmem:s22+$0x430];
	v9 =	vmul.f32 v9, v11;
	v0 =	vadd.f32 v10, v0  }
0x90: {  	v10 =	vld [tilespmem:s22+$0x400]  }
0x91: {  	v11 =	vld [tilespmem:s22+$0x2400]  }
0x92: {  	v12 =	vld [tilespmem:s22+$0x410]  }
0x93: {  	v13 =	vld [tilespmem:s22+$0x2410]  }
0x94: {  	v14 =	vld [tilespmem:s22+$0x420]  }
0x95: {  	v15 =	vld [tilespmem:s22+$0x2420]  }
0x96: {  	v1 =	vmul.f32 v7, v1  }
0x97: {  	v60 =	vld [tilespmem:s22+$0x2430];
	v4 =	vadd.f32 v9, v4;
	v6 =	vmul.f32 v8, v6  }
0x98: {  	v1 =	vadd.f32 v1, v2;
	v61 =	vmul.f32 v11, v10;
	v62 =	vmul.f32 v13, v12  }
0x99: {  	v3 =	vadd.f32 v6, v3  }
0x9a: {  	v63 =	vmul.f32 v15, v14;
	v2 =	vadd.f32 v61, v4;
	v1 =	vadd.f32 v62, v1;
	_ =	sdelay $0x1  }
0x9b: {  	v5 =	vmul.f32 v60, v5;
	v3 =	vadd.f32 v63, v3;
	v1 =	vadd.f32 v1, v2;
	_ =	sdelay $0x1  }
0x9c: {  	v0 =	vadd.f32 v5, v0;
	v1 =	vadd.f32 v3, v1;
	_ =	sdelay $0x1  }
0x9d: {  	s21 =	sadd.s32 $0x1, s21;
	v0 =	vadd.f32 v0, v1  }
0x9e: {  	p0 =	sne.s32 s21, s8  }
.Ltmp4:
0x9f: {  	[tilespmem:$0x4400] =	vst v0;
	(pc) =	sbr.rel @p0 .LBB2_1-.Ltmp4, $4  }
0xa0: {  	[hbm4b:s7+s2] =	stream.linear.scatter [tilespmem:s20], [sflag:$0x2], $0x10, $0x38;
	[tilespmem:$0x4410] =	vst v63  }
0xa1: {  	_ =	swait.ge [sflag:s9], $0x10  }
0xa2: {  	[sflag:s9] =	ssyncset.done $0x0  }
0xa3: {  	[sflag:s9] =	ssyncadd.s32 $0xFFFFFFF0  }
0xa4: {  	_ =	sfence.sel $0x180000  }
0xa5: {  	[bflag:$0x0] =	sbarrier.arrive $0xFFFF  }
0xa6: {  	p0 =	sne.s32 s0, $0x0;
	_ =	strace $0x90000047  }
0xa7: {  	s0 =	sadd.s32 @!p0 $0x100000, s1;
	[bflag:$0x2] =	sbarrier.arrive $0xFFFF  }
0xa8: {  	[sflag:s0] =	ssyncadd.tile.s32 @!p0 $0x1;
	_ =	shalt  }
.Lfunc_end2:
_tile_overlayer_lowered:
.L_overlay_start_2:
0xa9: {  	(tag) =	ssettag $0x2  }
0xaa: {  	s0 =	rddreg [dreg:$0x0];
	s2 =	stileid.u32  }
0xab: {  	s1 =	rddreg [dreg:$0x1];
	p0 =	sne.s32 s2, $0x0  }
0xac: {  	s3 =	rddreg [dreg:$0x2];
	[bflag:$0x3] =	sbarrier.arrive $0xFFFF;
	s2 =	simm.s32 @!p0 $0x1C02  }
0xad: {  	[timem:s3], [sflag:s2] =	dma.local @!p0 [hbm:s0], s1  }
0xae: {  	s0 =	simm.s32 @!p0 $0x2  }
0xaf: {  	_ =	swait.ge @!p0 [sflag:s0], s1  }
0xb0: {  	s1 =	ssub.s32 @!p0 $0x0, s1;
	[sflag:s0] =	ssyncset.done @!p0 $0x0  }
0xb1: {  	[sflag:s0] =	ssyncadd.s32 @!p0 s1  }
0xb2: {  	[bflag:$0x3] =	sbarrier.arrive $0xFFFF  }
0xb3: {  	_ =	shalt  }

</sc_bundles>
